<compile_context>
chip_gen: v7x
topology: tpu7x:2x2x1
jax: 0.10.2.dev20260603
libtpu: 0.0.44.dev20260713+nightly
codegen_flags: <defaults>
</compile_context>

<pallas_src>
import functools

import jax
import jax.numpy as jnp
from jax import lax
from jax.experimental import pallas as pl
from jax.experimental.pallas import tpu as pltpu
from jax.experimental.pallas import tpu_sc as plsc

NQ = 4096
NK = 65536
QT = 512
KT = 2048
PAD_D = 128

SC_CORES = 2
SC_SUBCORES = 16
SC_WORKERS = SC_CORES * SC_SUBCORES
ROWS_PER_WORKER = NQ // SC_WORKERS


LANE_BITS = 11
LANE_MASK = (1 << LANE_BITS) - 1
KEY_MASK = ~LANE_MASK


def _nn_body(paug_ref, gaug_ref, idx_ref, run_key, run_idx):
    k = pl.program_id(1)

    @pl.when(k == 0)
    def _init():
        run_key[...] = jnp.full((QT, 1), jnp.int32(0x7FFFFFFF), jnp.int32)
        run_idx[...] = jnp.zeros((QT, 1), jnp.int32)

    d2 = lax.dot_general(
        paug_ref[...], gaug_ref[...],
        dimension_numbers=(((1,), (0,)), ((), ())),
        preferred_element_type=jnp.float32,
        precision=lax.Precision.HIGHEST,
    )

    bits = lax.bitcast_convert_type(d2, jnp.int32)
    lane = lax.broadcasted_iota(jnp.int32, d2.shape, 1)
    key = (bits & jnp.int32(KEY_MASK)) | lane
    kmin = jnp.min(key, axis=1, keepdims=True)

    better = kmin < run_key[...]
    run_idx[...] = jnp.where(
        better, (kmin & jnp.int32(LANE_MASK)) + k * KT, run_idx[...])
    run_key[...] = jnp.where(better, kmin, run_key[...])

    @pl.when(k == pl.num_programs(1) - 1)
    def _emit():
        idx_ref[...] = run_idx[...]


_nn_call = pl.pallas_call(
    _nn_body,
    grid=(NQ // QT, NK // KT),
    in_specs=[
        pl.BlockSpec((QT, 8), lambda q, k: (q, 0)),
        pl.BlockSpec((8, KT), lambda q, k: (0, k)),
    ],
    out_specs=pl.BlockSpec((QT, 1), lambda q, k: (q, 0)),
    out_shape=jax.ShapeDtypeStruct((NQ, 1), jnp.int32),
    scratch_shapes=[
        pltpu.VMEM((QT, 1), jnp.int32),
        pltpu.VMEM((QT, 1), jnp.int32),
    ],
)


def _sc_gather_body(table_hbm, idx_hbm, out_hbm, idx_v, rows_v, sem):
    wid = lax.axis_index("s") * SC_CORES + lax.axis_index("c")
    base = wid * ROWS_PER_WORKER
    pltpu.sync_copy(idx_hbm.at[pl.ds(base, ROWS_PER_WORKER)], idx_v)
    pltpu.async_copy(table_hbm.at[idx_v], rows_v, sem).wait()
    pltpu.sync_copy(rows_v, out_hbm.at[pl.ds(base, ROWS_PER_WORKER)])


def _sc_gather(table, idx):
    kern = pl.kernel(
        _sc_gather_body,
        out_type=jax.ShapeDtypeStruct((NQ, PAD_D), jnp.float32),
        mesh=plsc.VectorSubcoreMesh(core_axis_name="c", subcore_axis_name="s"),
        scratch_types=[
            pltpu.VMEM((ROWS_PER_WORKER,), jnp.int32),
            pltpu.VMEM((ROWS_PER_WORKER, PAD_D), jnp.float32),
            pltpu.SemaphoreType.DMA,
        ],
    )
    return kern(table, idx)


def _loss_body(pft_ref, nrt_ref, out_ref):
    pf = pft_ref[...]
    nr = nrt_ref[...]
    p = pf[0:3, :]
    pn = pf[3:6, :]
    g = nr[0:3, :]
    gn = nr[3:6, :]

    d = p - g
    inlier = jnp.sum(d * d, keepdims=True) * (1.0 / (NQ * 3))

    pn_norm = jnp.maximum(jnp.sqrt(jnp.sum(pn * pn, axis=0, keepdims=True)), 1e-4)
    gn_norm = jnp.maximum(jnp.sqrt(jnp.sum(gn * gn, axis=0, keepdims=True)), 1e-4)
    cos = jnp.sum((pn / pn_norm) * (gn / gn_norm), axis=0, keepdims=True)
    norm_loss = jnp.sum(1.0 - cos, axis=1, keepdims=True) * (1.0 / NQ)

    out_ref[...] = inlier + norm_loss


_loss_call = pl.pallas_call(
    _loss_body,
    in_specs=[
        pl.BlockSpec((6, NQ), lambda: (0, 0)),
        pl.BlockSpec((PAD_D, NQ), lambda: (0, 0)),
    ],
    out_specs=pl.BlockSpec((1, 1), lambda: (0, 0)),
    out_shape=jax.ShapeDtypeStruct((1, 1), jnp.float32),
)


def kernel(pred_feat, pred_decoder, input_data, gt_data):
    del pred_decoder, input_data
    pred_points = pred_feat[:, :3]
    gauss = jax.random.normal(jax.random.key(1), pred_points.shape,
                              dtype=pred_points.dtype)
    pred_points = jnp.where(jnp.any(jnp.isnan(pred_points)), gauss, pred_points)

    p2 = jnp.sum(pred_points * pred_points, axis=1, keepdims=True)
    ones_q = jnp.ones((NQ, 1), jnp.float32)
    paug = jnp.concatenate(
        [pred_points, p2, ones_q, jnp.zeros((NQ, 3), jnp.float32)], axis=1)

    gt_pts = gt_data[:, :3]
    g2 = jnp.sum(gt_pts * gt_pts, axis=1, keepdims=True)
    ones_k = jnp.ones((NK, 1), jnp.float32)
    gaug = jnp.concatenate(
        [-2.0 * gt_pts, ones_k, g2, jnp.zeros((NK, 3), jnp.float32)], axis=1).T

    idx = _nn_call(paug, gaug)

    table = jnp.pad(gt_data, ((0, 0), (0, PAD_D - 6)))
    rows = _sc_gather(table, idx.reshape(NQ))

    pft = jnp.concatenate([pred_points, pred_feat[:, 3:]], axis=1).T
    loss = _loss_call(pft, rows.T)
    return loss[0, 0]

# --- scband reference (transcript-rebuilt; emitter-appended) ---
"""Pipeline reference for scband-combined-criterion-ae-11879879541054 (READ-ONLY COPY).

The authoritative reference and input builder live on the scoring server;
editing this copy changes nothing except your own understanding.
"""

import jax, jax.numpy as jnp
import numpy as np


def _normalize(x, eps=1e-4):
    # Matches torch.nn.functional.normalize(p=2, dim=1, eps=eps): x / max(||x||, eps)
    n = jnp.sqrt(jnp.sum(x * x, axis=1, keepdims=True))
    return x / jnp.maximum(n, eps)


def setup_inputs(seed: int = 0) -> dict:
    key = jax.random.key(seed)
    k1, k2, k3, k4 = jax.random.split(key, 4)
    return {
        "pred_feat": jax.random.normal(k1, (4096, 6), dtype=jnp.float32),
        "pred_decoder": jax.random.normal(k2, (8192, 4), dtype=jnp.float32),
        "input_data": jax.random.normal(k3, (8192, 4), dtype=jnp.float32),
        "gt_data": jax.random.normal(k4, (65536, 6), dtype=jnp.float32),
    }


def reference(pred_feat, pred_decoder, input_data, gt_data):
    # train_decoder=False path of CombinedCriterionAE.forward
    pred_points = pred_feat[:, :3]
    pred_normals = pred_feat[:, 3:]
    gt_points = gt_data[:, :3]
    gt_normals = gt_data[:, 3:]

    # replace_if_nan_with_gaussian: if any NaN, replace whole tensor with N(0,1)
    gauss = jax.random.normal(jax.random.key(1), pred_points.shape, dtype=pred_points.dtype)
    pred_points = jnp.where(jnp.any(jnp.isnan(pred_points)), gauss, pred_points)

    # torch.cdist (p=2) via ||p||^2 + ||g||^2 - 2 p.g^T (same math, avoids [N,L,3] temp)
    p2 = jnp.sum(pred_points * pred_points, axis=1, keepdims=True)  # [N,1]
    g2 = jnp.sum(gt_points * gt_points, axis=1)[None, :]            # [1,L]
    d2 = p2 + g2 - 2.0 * (pred_points @ gt_points.T)                # [N,L]
    dists = jnp.sqrt(jnp.maximum(d2, 0.0))

    min_indices = jnp.argmin(dists, axis=1)                          # [N]
    nearest_pts = jnp.take(gt_points, min_indices, axis=0)          # gather
    inlier_loss = jnp.mean((pred_points - nearest_pts) ** 2)

    closest_gt_normals = jnp.take(gt_normals, min_indices, axis=0)
    pred_normals_unit = _normalize(pred_normals, eps=1e-4)
    gt_normals_unit = _normalize(closest_gt_normals, eps=1e-4)
    cos_theta = jnp.sum(pred_normals_unit * gt_normals_unit, axis=1)
    norm_loss = jnp.mean(1.0 - cos_theta)

    combined_loss = inlier_loss + norm_loss
    return combined_loss

if __name__ == "__main__":
    import jax
    _d = setup_inputs()
    print(jax.jit(kernel)(*tuple(_d.values())))

</pallas_src>

<mosaic_0001>
#map = affine_map<(d0, d1) -> (0, 0)>
#map1 = affine_map<(d0, d1) -> (0)>
module attributes {stable_mosaic.version = 14 : i64} {
  func.func @_sc_gather_body(%arg0: i32, %arg1: i32, %arg2: memref<65536x128xf32, #tpu.memory_space<hbm>>, %arg3: memref<4096xi32, #tpu.memory_space<hbm>>, %arg4: memref<4096x128xf32, #tpu.memory_space<hbm>>, %arg5: memref<128xi32, #tpu.memory_space<vmem>>, %arg6: memref<128x128xf32, #tpu.memory_space<vmem>>, %arg7: memref<!tpu.dma_semaphore, #tpu.memory_space<semaphore_mem>>) attributes {dimension_semantics = [#tpu.dimension_semantics<core_parallel>, #tpu.dimension_semantics<subcore_parallel>], iteration_bounds = array<i64: 2, 16>, scalar_prefetch = 0 : i64, scratch_operands = 3 : i64, tpu.core_type = #tpu.core_type<sc_vector_subcore>, window_params = [{transform_indices = #map}, {transform_indices = #map1}, {transform_indices = #map}]} {
    %mul3A = arith.constant 2 : i32
    %mul3A_0 = arith.muli %arg1, %mul3A : i32
    %add3A = arith.addi %mul3A_0, %arg0 : i32
    %mul3A_1 = arith.constant 128 : i32
    %mul3A_2 = arith.muli %add3A, %mul3A_1 : i32
    "tpu.region"() ({
      %run_scoped3A = tpu.sem_alloc : memref<!tpu.dma_semaphore, #tpu.memory_space<semaphore_mem>>
      %dma_start3A_7 = tpu.memref_slice %arg3[%mul3A_2] : memref<4096xi32, #tpu.memory_space<hbm>> -> memref<128xi32, #tpu.memory_space<hbm>>
      %dma_start3A_8 = tpu.memref_slice %arg3[%mul3A_2] : memref<4096xi32, #tpu.memory_space<hbm>> -> memref<128xi32, #tpu.memory_space<hbm>>
      tpu.enqueue_dma source(%dma_start3A_8 : memref<128xi32, #tpu.memory_space<hbm>>) target(%arg5 : memref<128xi32, #tpu.memory_space<vmem>>) target_semaphore(%run_scoped3A : memref<!tpu.dma_semaphore, #tpu.memory_space<semaphore_mem>>)
      %dma_wait3A_9 = tpu.memref_slice %arg3[%mul3A_2] : memref<4096xi32, #tpu.memory_space<hbm>> -> memref<128xi32, #tpu.memory_space<hbm>>
      %dma_wait3A_10 = tpu.memref_slice %arg3[%mul3A_2] : memref<4096xi32, #tpu.memory_space<hbm>> -> memref<128xi32, #tpu.memory_space<hbm>>
      tpu.wait_dma2 semaphore(%run_scoped3A : memref<!tpu.dma_semaphore, #tpu.memory_space<semaphore_mem>>) src(%dma_wait3A_10 : memref<128xi32, #tpu.memory_space<hbm>>) dst(%arg5 : memref<128xi32, #tpu.memory_space<vmem>>)
      tpu.yield
    }) : () -> ()
    %dma_start3A = arith.constant 0 : i32
    %dma_start3A_3 = arith.constant 0 : i32
    %dma_start3A_4 = tpu.memref_slice %arg2[%dma_start3A, %dma_start3A_3] : memref<65536x128xf32, #tpu.memory_space<hbm>> -> memref<65536x128xf32, #tpu.memory_space<hbm>>
    tpu.enqueue_indirect_dma source(%dma_start3A_4 : memref<65536x128xf32, #tpu.memory_space<hbm>>) target(%arg6 : memref<128x128xf32, #tpu.memory_space<vmem>>) offsets(%arg5 : memref<128xi32, #tpu.memory_space<vmem>>) semaphore(%arg7 : memref<!tpu.dma_semaphore, #tpu.memory_space<semaphore_mem>>)
    %dma_wait3A = arith.constant 0 : i32
    %dma_wait3A_5 = arith.constant 0 : i32
    %dma_wait3A_6 = tpu.memref_slice %arg2[%dma_wait3A, %dma_wait3A_5] : memref<65536x128xf32, #tpu.memory_space<hbm>> -> memref<65536x128xf32, #tpu.memory_space<hbm>>
    tpu.wait_indirect_dma semaphore(%arg7 : memref<!tpu.dma_semaphore, #tpu.memory_space<semaphore_mem>>) src(%dma_wait3A_6 : memref<65536x128xf32, #tpu.memory_space<hbm>>) dst(%arg6 : memref<128x128xf32, #tpu.memory_space<vmem>>)
    "tpu.region"() ({
      %run_scoped3A = tpu.sem_alloc : memref<!tpu.dma_semaphore, #tpu.memory_space<semaphore_mem>>
      %dma_start3A_7 = arith.constant 0 : i32
      %dma_start3A_8 = tpu.memref_slice %arg4[%mul3A_2, %dma_start3A_7] : memref<4096x128xf32, #tpu.memory_space<hbm>> -> memref<128x128xf32, #tpu.memory_space<hbm>>
      %dma_start3A_9 = arith.constant 0 : i32
      %dma_start3A_10 = tpu.memref_slice %arg4[%mul3A_2, %dma_start3A_9] : memref<4096x128xf32, #tpu.memory_space<hbm>> -> memref<128x128xf32, #tpu.memory_space<hbm>>
      tpu.enqueue_dma source(%arg6 : memref<128x128xf32, #tpu.memory_space<vmem>>) target(%dma_start3A_10 : memref<128x128xf32, #tpu.memory_space<hbm>>) target_semaphore(%run_scoped3A : memref<!tpu.dma_semaphore, #tpu.memory_space<semaphore_mem>>)
      %dma_wait3A_11 = arith.constant 0 : i32
      %dma_wait3A_12 = tpu.memref_slice %arg4[%mul3A_2, %dma_wait3A_11] : memref<4096x128xf32, #tpu.memory_space<hbm>> -> memref<128x128xf32, #tpu.memory_space<hbm>>
      %dma_wait3A_13 = arith.constant 0 : i32
      %dma_wait3A_14 = tpu.memref_slice %arg4[%mul3A_2, %dma_wait3A_13] : memref<4096x128xf32, #tpu.memory_space<hbm>> -> memref<128x128xf32, #tpu.memory_space<hbm>>
      tpu.wait_dma2 semaphore(%run_scoped3A : memref<!tpu.dma_semaphore, #tpu.memory_space<semaphore_mem>>) src(%arg6 : memref<128x128xf32, #tpu.memory_space<vmem>>) dst(%dma_wait3A_14 : memref<128x128xf32, #tpu.memory_space<hbm>>)
      tpu.yield
    }) : () -> ()
    return
  }
}

module attributes {stable_mosaic.version = 14 : i64} {
  func.func @_nn_body(%arg0: i32, %arg1: i32, %arg2: memref<512x8xf32, #tpu.memory_space<vmem>>, %arg3: memref<8x2048xf32, #tpu.memory_space<vmem>>, %arg4: memref<512x1xi32, #tpu.memory_space<vmem>>, %arg5: memref<512x1xi32, #tpu.memory_space<vmem>>, %arg6: memref<512x1xi32, #tpu.memory_space<vmem>>) attributes {dimension_semantics = [#tpu.dimension_semantics<arbitrary>, #tpu.dimension_semantics<arbitrary>], iteration_bounds = array<i64: 8, 32>, scalar_prefetch = 0 : i64, scratch_operands = 2 : i64, tpu.core_type = #tpu.core_type<tc>, window_params = [{transform_indices = @transform_0, window_bounds = array<i64: 512, 8>}, {transform_indices = @transform_1, window_bounds = array<i64: 8, 2048>}, {transform_indices = @transform_2, window_bounds = array<i64: 512, 1>}]} {
    %eq3A = arith.constant 0 : i32
    %eq3A_0 = arith.cmpi eq, %arg1, %eq3A : i32
    %convert_element_type3A = arith.extui %eq3A_0 : i1 to i32
    %cond3A = arith.constant 0 : i32
    %cond3A_1 = arith.cmpi ne, %convert_element_type3A, %cond3A : i32
    scf.if %cond3A_1 {
      %broadcast_in_dim3A_36 = arith.constant 2147483647 : i32
      %broadcast_in_dim3A_37 = vector.broadcast %broadcast_in_dim3A_36 : i32 to vector<512x1xi32>
      %swap3A_38 = arith.constant 0 : index
      %swap3A_39 = arith.constant 0 : index
      %swap3A_40 = vector.load %arg5[%swap3A_38, %swap3A_39] : memref<512x1xi32, #tpu.memory_space<vmem>>, vector<512x1xi32>
      tpu.vector_store %arg5[%swap3A_38, %swap3A_39], %broadcast_in_dim3A_37 {strides = array<i32>} : memref<512x1xi32, #tpu.memory_space<vmem>>, vector<512x1xi32>,
      %broadcast_in_dim3A_41 = arith.constant 0 : i32
      %broadcast_in_dim3A_42 = vector.broadcast %broadcast_in_dim3A_41 : i32 to vector<512x1xi32>
      %swap3A_43 = arith.constant 0 : index
      %swap3A_44 = arith.constant 0 : index
      %swap3A_45 = vector.load %arg6[%swap3A_43, %swap3A_44] : memref<512x1xi32, #tpu.memory_space<vmem>>, vector<512x1xi32>
      tpu.vector_store %arg6[%swap3A_43, %swap3A_44], %broadcast_in_dim3A_42 {strides = array<i32>} : memref<512x1xi32, #tpu.memory_space<vmem>>, vector<512x1xi32>,
    } else {
    }
    %get3A = arith.constant 0 : index
    %get3A_2 = arith.constant 0 : index
    %get3A_3 = vector.load %arg2[%get3A, %get3A_2] : memref<512x8xf32, #tpu.memory_space<vmem>>, vector<512x8xf32>
    %get3A_4 = arith.constant 0 : index
    %get3A_5 = arith.constant 0 : index
    %get3A_6 = vector.load %arg3[%get3A_4, %get3A_5] : memref<8x2048xf32, #tpu.memory_space<vmem>>, vector<8x2048xf32>
    %dot_general3A = arith.constant dense<0.000000e+00> : vector<512x2048xf32>
    %dot_general3A_7 = tpu.matmul %get3A_3, %get3A_6, %dot_general3A {dimension_numbers = #tpu.dot_dimension_numbers<[1], [0], [0], [1], [0, 0, 1, 1], [], []>, precision = #tpu.contract_precision<fp32>, transpose_lhs_hint = false} : vector<512x8xf32>, vector<8x2048xf32>, vector<512x2048xf32> -> vector<512x2048xf32>
    %bitcast_convert_type3A = tpu.bitcast %dot_general3A_7 : vector<512x2048xf32> -> vector<512x2048xi32>
    %iota3A = tpu.iota {dimensions = array<i32: 1>} : vector<512x2048xi32>
    %and3A = arith.constant -2048 : i32
    %and3A_8 = vector.broadcast %and3A : i32 to vector<512x2048xi32>
    %and3A_9 = arith.andi %bitcast_convert_type3A, %and3A_8 : vector<512x2048xi32>
    %or3A = arith.ori %and3A_9, %iota3A : vector<512x2048xi32>
    %reduce_min3A = arith.constant dense<2147483647> : vector<512xi32>
    %reduce_min3A_10 = vector.multi_reduction <minsi>, %or3A, %reduce_min3A [1] : vector<512x2048xi32> to vector<512xi32>
    %broadcast_in_dim3A = vector.shape_cast %reduce_min3A_10 : vector<512xi32> to vector<512x1xi32>
    %get3A_11 = arith.constant 0 : index
    %get3A_12 = arith.constant 0 : index
    %get3A_13 = vector.load %arg5[%get3A_11, %get3A_12] : memref<512x1xi32, #tpu.memory_space<vmem>>, vector<512x1xi32>
    %lt3A = arith.cmpi slt, %broadcast_in_dim3A, %get3A_13 : vector<512x1xi32>
    %and3A_14 = arith.constant 2047 : i32
    %and3A_15 = vector.broadcast %and3A_14 : i32 to vector<512x1xi32>
    %and3A_16 = arith.andi %broadcast_in_dim3A, %and3A_15 : vector<512x1xi32>
    %mul3A = arith.constant 2048 : i32
    %mul3A_17 = arith.muli %arg1, %mul3A : i32
    %add3A = vector.broadcast %mul3A_17 : i32 to vector<512x1xi32>
    %add3A_18 = arith.addi %and3A_16, %add3A : vector<512x1xi32>
    %get3A_19 = arith.constant 0 : index
    %get3A_20 = arith.constant 0 : index
    %get3A_21 = vector.load %arg6[%get3A_19, %get3A_20] : memref<512x1xi32, #tpu.memory_space<vmem>>, vector<512x1xi32>
    %select_n3A = arith.select %lt3A, %add3A_18, %get3A_21 : vector<512x1xi1>, vector<512x1xi32>
    %swap3A = arith.constant 0 : index
    %swap3A_22 = arith.constant 0 : index
    %swap3A_23 = vector.load %arg6[%swap3A, %swap3A_22] : memref<512x1xi32, #tpu.memory_space<vmem>>, vector<512x1xi32>
    tpu.vector_store %arg6[%swap3A, %swap3A_22], %select_n3A {strides = array<i32>} : memref<512x1xi32, #tpu.memory_space<vmem>>, vector<512x1xi32>,
    %get3A_24 = arith.constant 0 : index
    %get3A_25 = arith.constant 0 : index
    %get3A_26 = vector.load %arg5[%get3A_24, %get3A_25] : memref<512x1xi32, #tpu.memory_space<vmem>>, vector<512x1xi32>
    %select_n3A_27 = arith.select %lt3A, %broadcast_in_dim3A, %get3A_26 : vector<512x1xi1>, vector<512x1xi32>
    %swap3A_28 = arith.constant 0 : index
    %swap3A_29 = arith.constant 0 : index
    %swap3A_30 = vector.load %arg5[%swap3A_28, %swap3A_29] : memref<512x1xi32, #tpu.memory_space<vmem>>, vector<512x1xi32>
    tpu.vector_store %arg5[%swap3A_28, %swap3A_29], %select_n3A_27 {strides = array<i32>} : memref<512x1xi32, #tpu.memory_space<vmem>>, vector<512x1xi32>,
    %eq3A_31 = arith.constant 31 : i32
    %eq3A_32 = arith.cmpi eq, %arg1, %eq3A_31 : i32
    %convert_element_type3A_33 = arith.extui %eq3A_32 : i1 to i32
    %cond3A_34 = arith.constant 0 : i32
    %cond3A_35 = arith.cmpi ne, %convert_element_type3A_33, %cond3A_34 : i32
    scf.if %cond3A_35 {
      %get3A_36 = arith.constant 0 : index
      %get3A_37 = arith.constant 0 : index
      %get3A_38 = vector.load %arg6[%get3A_36, %get3A_37] : memref<512x1xi32, #tpu.memory_space<vmem>>, vector<512x1xi32>
      %swap3A_39 = arith.constant 0 : index
      %swap3A_40 = arith.constant 0 : index
      %swap3A_41 = vector.load %arg4[%swap3A_39, %swap3A_40] : memref<512x1xi32, #tpu.memory_space<vmem>>, vector<512x1xi32>
      tpu.vector_store %arg4[%swap3A_39, %swap3A_40], %get3A_38 {strides = array<i32>} : memref<512x1xi32, #tpu.memory_space<vmem>>, vector<512x1xi32>,
    } else {
    }
    return
  }
  func.func @transform_0(%arg0: i32, %arg1: i32) -> (i32, i32) {
    %c0_i32 = arith.constant 0 : i32
    %c0_i32_0 = arith.constant 0 : i32
    return %arg0, %c0_i32 : i32, i32
  }
  func.func @transform_1(%arg0: i32, %arg1: i32) -> (i32, i32) {
    %c0_i32 = arith.constant 0 : i32
    %c0_i32_0 = arith.constant 0 : i32
    return %c0_i32, %arg1 : i32, i32
  }
  func.func @transform_2(%arg0: i32, %arg1: i32) -> (i32, i32) {
    %c0_i32 = arith.constant 0 : i32
    %c0_i32_0 = arith.constant 0 : i32
    return %arg0, %c0_i32 : i32, i32
  }
}

module attributes {stable_mosaic.version = 14 : i64} {
  func.func @_loss_body(%arg0: memref<6x4096xf32, #tpu.memory_space<vmem>>, %arg1: memref<128x4096xf32, #tpu.memory_space<vmem>>, %arg2: memref<1x1xf32, #tpu.memory_space<vmem>>) attributes {dimension_semantics = [], scalar_prefetch = 0 : i64, scratch_operands = 0 : i64, tpu.core_type = #tpu.core_type<tc>} {
    %get3A = arith.constant 0 : index
    %get3A_0 = arith.constant 0 : index
    %get3A_1 = vector.load %arg0[%get3A, %get3A_0] : memref<6x4096xf32, #tpu.memory_space<vmem>>, vector<6x4096xf32>
    %get3A_2 = arith.constant 0 : index
    %get3A_3 = arith.constant 0 : index
    %get3A_4 = vector.load %arg1[%get3A_2, %get3A_3] : memref<128x4096xf32, #tpu.memory_space<vmem>>, vector<128x4096xf32>
    %slice3A = vector.extract_strided_slice %get3A_1 {offsets = [0, 0], sizes = [3, 4096], strides = [1, 1]} : vector<6x4096xf32> to vector<3x4096xf32>
    %slice3A_5 = vector.extract_strided_slice %get3A_1 {offsets = [3, 0], sizes = [3, 4096], strides = [1, 1]} : vector<6x4096xf32> to vector<3x4096xf32>
    %slice3A_6 = vector.extract_strided_slice %get3A_4 {offsets = [0, 0], sizes = [3, 4096], strides = [1, 1]} : vector<128x4096xf32> to vector<3x4096xf32>
    %slice3A_7 = vector.extract_strided_slice %get3A_4 {offsets = [3, 0], sizes = [3, 4096], strides = [1, 1]} : vector<128x4096xf32> to vector<3x4096xf32>
    %sub3A = arith.subf %slice3A, %slice3A_6 : vector<3x4096xf32>
    %mul3A = arith.mulf %sub3A, %sub3A : vector<3x4096xf32>
    %reduce_sum3A = vector.shape_cast %mul3A : vector<3x4096xf32> to vector<1x3x4096xf32>
    %reduce_sum3A_8 = arith.constant dense<0.000000e+00> : vector<1xf32>
    %reduce_sum3A_9 = vector.multi_reduction <add>, %reduce_sum3A, %reduce_sum3A_8 [1, 2] : vector<1x3x4096xf32> to vector<1xf32>
    %reduce_sum3A_10 = vector.shape_cast %reduce_sum3A_9 : vector<1xf32> to vector<1x1x1xf32>
    %reduce_sum3A_11 = vector.extract %reduce_sum3A_10[0, 0, 0] : f32 from vector<1x1x1xf32>
    %broadcast_in_dim3A = vector.broadcast %reduce_sum3A_11 : f32 to vector<1x1xf32>
    %mul3A_12 = arith.constant 8.13802107E-5 : f32
    %mul3A_13 = vector.broadcast %mul3A_12 : f32 to vector<1x1xf32>
    %mul3A_14 = arith.mulf %broadcast_in_dim3A, %mul3A_13 : vector<1x1xf32>
    %mul3A_15 = arith.mulf %slice3A_5, %slice3A_5 : vector<3x4096xf32>
    %reduce_sum3A_16 = arith.constant dense<0.000000e+00> : vector<4096xf32>
    %reduce_sum3A_17 = vector.multi_reduction <add>, %mul3A_15, %reduce_sum3A_16 [0] : vector<3x4096xf32> to vector<4096xf32>
    %broadcast_in_dim3A_18 = vector.shape_cast %reduce_sum3A_17 : vector<4096xf32> to vector<1x4096xf32>
    %sqrt3A = math.sqrt %broadcast_in_dim3A_18 : vector<1x4096xf32>
    %max3A = arith.constant 9.99999974E-5 : f32
    %max3A_19 = vector.broadcast %max3A : f32 to vector<1x4096xf32>
    %max3A_20 = arith.maximumf %sqrt3A, %max3A_19 : vector<1x4096xf32>
    %mul3A_21 = arith.mulf %slice3A_7, %slice3A_7 : vector<3x4096xf32>
    %reduce_sum3A_22 = arith.constant dense<0.000000e+00> : vector<4096xf32>
    %reduce_sum3A_23 = vector.multi_reduction <add>, %mul3A_21, %reduce_sum3A_22 [0] : vector<3x4096xf32> to vector<4096xf32>
    %broadcast_in_dim3A_24 = vector.shape_cast %reduce_sum3A_23 : vector<4096xf32> to vector<1x4096xf32>
    %sqrt3A_25 = math.sqrt %broadcast_in_dim3A_24 : vector<1x4096xf32>
    %max3A_26 = arith.constant 9.99999974E-5 : f32
    %max3A_27 = vector.broadcast %max3A_26 : f32 to vector<1x4096xf32>
    %max3A_28 = arith.maximumf %sqrt3A_25, %max3A_27 : vector<1x4096xf32>
    %div3A = vector.broadcast %max3A_20 : vector<1x4096xf32> to vector<3x4096xf32>
    %div3A_29 = arith.divf %slice3A_5, %div3A : vector<3x4096xf32>
    %div3A_30 = vector.broadcast %max3A_28 : vector<1x4096xf32> to vector<3x4096xf32>
    %div3A_31 = arith.divf %slice3A_7, %div3A_30 : vector<3x4096xf32>
    %mul3A_32 = arith.mulf %div3A_29, %div3A_31 : vector<3x4096xf32>
    %reduce_sum3A_33 = arith.constant dense<0.000000e+00> : vector<4096xf32>
    %reduce_sum3A_34 = vector.multi_reduction <add>, %mul3A_32, %reduce_sum3A_33 [0] : vector<3x4096xf32> to vector<4096xf32>
    %broadcast_in_dim3A_35 = vector.shape_cast %reduce_sum3A_34 : vector<4096xf32> to vector<1x4096xf32>
    %sub3A_36 = arith.constant 1.000000e+00 : f32
    %sub3A_37 = vector.broadcast %sub3A_36 : f32 to vector<1x4096xf32>
    %sub3A_38 = arith.subf %sub3A_37, %broadcast_in_dim3A_35 : vector<1x4096xf32>
    %reduce_sum3A_39 = arith.constant dense<0.000000e+00> : vector<1xf32>
    %reduce_sum3A_40 = vector.multi_reduction <add>, %sub3A_38, %reduce_sum3A_39 [1] : vector<1x4096xf32> to vector<1xf32>
    %broadcast_in_dim3A_41 = vector.shape_cast %reduce_sum3A_40 : vector<1xf32> to vector<1x1xf32>
    %mul3A_42 = arith.constant 2.44140625E-4 : f32
    %mul3A_43 = vector.broadcast %mul3A_42 : f32 to vector<1x1xf32>
    %mul3A_44 = arith.mulf %broadcast_in_dim3A_41, %mul3A_43 : vector<1x1xf32>
    %add3A = arith.addf %mul3A_14, %mul3A_44 : vector<1x1xf32>
    %swap3A = arith.constant 0 : index
    %swap3A_45 = arith.constant 0 : index
    %swap3A_46 = vector.load %arg2[%swap3A, %swap3A_45] : memref<1x1xf32, #tpu.memory_space<vmem>>, vector<1x1xf32>
    tpu.vector_store %arg2[%swap3A, %swap3A_45], %add3A {strides = array<i32>} : memref<1x1xf32, #tpu.memory_space<vmem>>, vector<1x1xf32>,
    return
  }
}

</mosaic_0001>

<sc_bundles>
// kernel: kernel.5.cloned.1.call-start
scs
__scs_entry_jumppad:
0x0: {  	(pc) =	sbr.rel $0x88, $3  }
0x1: {  	(tag) =	ssettag $0x0;
	lr =	simm.s32 $0x1  }
0x2: {  	[smem:$0x3F9F] =	sst lr;
	_ =	strace $0xD0000000  }
0x3: {  	_ = 	snop  }
0x4: {  	_ = 	snop  }
0x5: {  	_ = 	snop  }
0x6: {  	_ = 	snop  }
0x7: {  	_ = 	snop  }
__scs_overlays_trampoline_lowered:
0x8: {  	[smem:$0x3FAE] =	sst s0  }
0x9: {  	[smem:$0x3FAF] =	sst s1  }
0xa: {  	[smem:$0x3FB0] =	sst s2  }
0xb: {  	[smem:$0x3FB1] =	sst s3  }
0xc: {  	[smem:$0x3FB2] =	sst s4  }
0xd: {  	[smem:$0x3FB3] =	sst s5  }
0xe: {  	[smem:$0x3FB4] =	sst s6  }
0xf: {  	[smem:$0x3FB5] =	sst s7  }
0x10: {  	[smem:$0x3FB6] =	sst s8  }
0x11: {  	[smem:$0x3FB7] =	sst s9;
	s0 =	simm.s32 @!p0 $0x0  }
0x12: {  	s1 =	sld [smem:$0x3F9D];
	s0 =	simm.s32 @p0 $0x1  }
0x13: {  	[smem:$0x3FB8] =	sst s0;
	s0 =	simm.s32 @!p1 $0x0  }
0x14: {  	s2 =	sld [smem:$0x3F9C];
	s0 =	simm.s32 @p1 $0x1  }
0x15: {  	[smem:$0x3FB9] =	sst s0;
	s0 =	simm.s32 @!p2 $0x0  }
0x16: {  	s3 =	sld [smem:$0x3FDB];
	s0 =	simm.s32 @p2 $0x1  }
0x17: {  	s4 =	simm.s32 $0x1BF5;
	[smem:$0x3FBB] =	sst s0  }
0x18: {  	s0 =	sld [smem:$0x3F9E];
	_ =	swait.ge [sflag:s4], $0x0  }
0x19: {  	s7 =	sld [smem:$0x3F9F]  }
0x1a: {  	s8 =	sadd.s32 $0xFFFFE003, lr  }
0x1b: {  	s9 =	sadd.s32 $0xFFFFFEF7, lr;
	s5 =	simm.s32 $0xFFFFFFFF;
	p2 =	slt.u32 s8, $0xFFFFF086  }
0x1c: {  	p1 =	slt.u32 s9, $0xF7A;
	s5 =	simm.s32 @!p2 $0x0  }
0x1d: {  	s5 =	simm.s32 @p1 $0x1;
	p0 =	seq.s32 s7, s2  }
0x1e: {  	s7 =	smul.u32 @!p0 $0xF7A, s2;
	p2 =	seq.s32 @!p0 s5, $0x0  }
0x1f: {  	s9 =	smul.u32 $0xF7A, s1;
	s8 =	simm.s32 @!p0 $0x1BF5;
	p2 =	por !p2, p0  }
0x20: {  	[sflag:s8] =	ssyncset.s32 @!p0 $0xFFFFF086;
	s6 =	sadd.s32 @!p0 s3, s7;
	s7 =	simm.s32 @!p0 $0x108  }
0x21: {  	s3 =	sadd.s32 s3, s9;
	s6 =	sadd.s32 @!p0 $0x88, s6;
	s7 =	simm.s32 @p2 $0x1082  }
0x22: {  	[simem:s7], [sflag:s8] =	dma.local @!p0 [hbm:s6], $0xF7A  }
0x23: {  	s9 =	sor.u32 $0xD0000000, s2;
	s6 =	simm.s32 $0x108;
	_ =	swait.ge @!p0 [sflag:s8], $0x0  }
0x24: {  	s3 =	sadd.s32 $0x88, s3;
	s6 =	simm.s32 @!p1 $0x1082;
	[sflag:s4] =	ssyncset.s32 $0xFFFFF086  }
0x25: {  	[simem:s6], [sflag:s4] =	dma.local [hbm:s3], $0xF7A  }
0x26: {  	[smem:$0x3F9F] =	sst s1;
	(tag) =	ssettag s2;
	_ =	strace s9  }
0x27: {  	s1 =	sld [smem:$0x3FAF]  }
0x28: {  	s2 =	sld [smem:$0x3FB0]  }
0x29: {  	s4 =	sld [smem:$0x3FB2]  }
0x2a: {  	p0 =	seq.s32 s5, $0x0;
	s5 =	sld [smem:$0x3FB3]  }
0x2b: {  	s6 =	sld [smem:$0x3FB4]  }
0x2c: {  	s7 =	sld [smem:$0x3FB5]  }
0x2d: {  	s3 =	simm.s32 $0x108;
	s8 =	sld [smem:$0x3FB6]  }
0x2e: {  	s3 =	simm.s32 @!p0 $0x1082;
	s9 =	sld [smem:$0x3FB7]  }
0x2f: {  	lr =	sadd.s32 s0, s3;
	s0 =	sld [smem:$0x3FAE]  }
0x30: {  	s3 =	sld [smem:$0x3FB1]  }
0x31: {  	[smem:$0x3FBA] =	sst s10  }
0x32: {  	s10 =	sld [smem:$0x3FB8];
	_ =	sdelay $0x3  }
0x33: {  	p0 =	seq.s32 s10, $0x1;
	s10 =	sld [smem:$0x3FBA];
	_ =	sdelay $0x3  }
0x34: {  	[smem:$0x3FBA] =	sst s10  }
0x35: {  	s10 =	sld [smem:$0x3FB9];
	_ =	sdelay $0x3  }
0x36: {  	p1 =	seq.s32 s10, $0x1;
	s10 =	sld [smem:$0x3FBA];
	_ =	sdelay $0x3  }
0x37: {  	[smem:$0x3FBA] =	sst s10  }
0x38: {  	s10 =	sld [smem:$0x3FBB]  }
0x39: {  	_ = 	snop;
	(pc) =	sbr.ind lr, $3  }
0x3a: {  	_ = 	snop  }
0x3b: {  	_ = 	snop  }
0x3c: {  	p2 =	seq.s32 s10, $0x1;
	s10 =	sld [smem:$0x3FBA]  }
0x3d: {  	_ =	shalt  }
0x3e: {  	_ =	shalt  }
0x3f: {  	_ =	shalt  }
0x40: {  	_ =	shalt  }
0x41: {  	_ =	shalt  }
0x42: {  	_ =	shalt  }
0x43: {  	_ =	shalt  }
0x44: {  	_ =	shalt  }
0x45: {  	_ =	shalt  }
0x46: {  	_ =	shalt  }
0x47: {  	_ =	shalt  }
0x48: {  	_ =	shalt  }
0x49: {  	_ =	shalt  }
0x4a: {  	_ =	shalt  }
0x4b: {  	_ =	shalt  }
0x4c: {  	_ =	shalt  }
0x4d: {  	_ =	shalt  }
0x4e: {  	_ =	shalt  }
0x4f: {  	_ =	shalt  }
0x50: {  	_ =	shalt  }
0x51: {  	_ =	shalt  }
0x52: {  	_ =	shalt  }
0x53: {  	_ =	shalt  }
0x54: {  	_ =	shalt  }
0x55: {  	_ =	shalt  }
0x56: {  	_ =	shalt  }
0x57: {  	_ =	shalt  }
0x58: {  	_ =	shalt  }
0x59: {  	_ =	shalt  }
0x5a: {  	_ =	shalt  }
0x5b: {  	_ =	shalt  }
0x5c: {  	_ =	shalt  }
0x5d: {  	_ =	shalt  }
0x5e: {  	_ =	shalt  }
0x5f: {  	_ =	shalt  }
0x60: {  	_ =	shalt  }
0x61: {  	_ =	shalt  }
0x62: {  	_ =	shalt  }
0x63: {  	_ =	shalt  }
0x64: {  	_ =	shalt  }
0x65: {  	_ =	shalt  }
0x66: {  	_ =	shalt  }
0x67: {  	_ =	shalt  }
0x68: {  	_ =	shalt  }
0x69: {  	_ =	shalt  }
0x6a: {  	_ =	shalt  }
0x6b: {  	_ =	shalt  }
0x6c: {  	_ =	shalt  }
0x6d: {  	_ =	shalt  }
0x6e: {  	_ =	shalt  }
0x6f: {  	_ =	shalt  }
0x70: {  	_ =	shalt  }
0x71: {  	_ =	shalt  }
0x72: {  	_ =	shalt  }
0x73: {  	_ =	shalt  }
0x74: {  	_ =	shalt  }
0x75: {  	_ =	shalt  }
0x76: {  	_ =	shalt  }
0x77: {  	_ =	shalt  }
0x78: {  	_ =	shalt  }
0x79: {  	_ =	shalt  }
0x7a: {  	_ =	shalt  }
0x7b: {  	_ =	shalt  }
0x7c: {  	_ =	shalt  }
0x7d: {  	_ =	shalt  }
0x7e: {  	_ =	shalt  }
0x7f: {  	_ =	shalt  }
0x80: {  	_ =	shalt  }
0x81: {  	_ =	shalt  }
0x82: {  	_ =	shalt  }
0x83: {  	_ =	shalt  }
0x84: {  	_ =	shalt  }
0x85: {  	_ =	shalt  }
0x86: {  	_ =	shalt  }
0x87: {  	_ =	shalt  }
.Lfunc_end0:
.L_simem_size_0:
called_computation_lowered:
.L_overlay_start_0:
0x88: {  	s2 =	sld [smem:$0x3FD9]  }
0x89: {  	s3 =	sld [smem:$0x3FFE];
	_ =	sdelay $0x1  }
0x8a: {  	s1 =	srdreg.scid  }
0x8b: {  	s0 =	sand.u32 $0x1, s1  }
0x8c: {  	s16 =	sshll.u32 s0, $0xA;
	s2 =	sadd.s32 s3, s2  }
0x8d: {  	s2 =	sadd.s32 s2, s16  }
0x8e: {  	[smem:$0x3FC6] =	sst s2  }
0x8f: {  	_ = 	snop  }
0x90: {  	(tm) =	ssettm $0x1  }
0x91: {  	s17 =	sld [smem:$0x3FFB];
	_ =	sdelay $0x3  }
0x92: {  	_ =	strace s17  }
0x93: {  	s2 =	sld [smem:$0x3FFC];
	_ =	sdelay $0x3  }
0x94: {  	_ =	strace s2  }
0x95: {  	s2 =	sld [smem:$0x3FFD];
	_ =	sdelay $0x3  }
0x96: {  	_ =	strace s2  }
0x97: {  	_ =	strace $0x8FFFFFFF  }
0x98: {  	s18 =	sld [smem:$0x3FDB];
	_ =	sdelay $0x1  }
0x99: {  	s19 =	simm.s32 $_scs_section_size  }
0x9a: {  	s4 =	simm.s32 $_size__tile_overlayer_lowered;
	s5 =	simm.s32 $_tile_overlayer_lowered  }
0x9b: {  	s22 =	simm.s32 $0x1BFF;
	s21 =	sshll.u32 s5, $0x1;
	s2 =	sadd.s32 s19, s18  }
0x9c: {  	s6 =	simm.s32 $0x0;
	s20 =	sshll.u32 s4, $0x1;
	s4 =	sadd.s32 s21, s2  }
0x9d: {  	[timem:s6], [sflag:s22] =	dma.local [hbm:s4], s20  }
0x9e: {  	_ =	swait.ge [sflag:s22], s20  }
0x9f: {  	s3 =	ssub.s32 $0x0, s20;
	[sflag:s22] =	ssyncset.done $0x0  }
0xa0: {  	[sflag:s22] =	ssyncadd.s32 s3;
	_ =	sdelay $0x1  }
0xa1: {  	s23 =	simm.s32 $0x1B8B  }
0xa2: {  	_ =	swait.ge [sflag:s23], $0x1  }
0xa3: {  	[sflag:s23] =	ssyncset.done $0x0  }
0xa4: {  	s25 =	simm.s32 $0x1B8E;
	s24 =	sld [smem:$0x3FFE];
	[sflag:s23] =	ssyncadd.s32 $0xFFFFFFFF  }
0xa5: {  	s26 =	simm.s32 $execute0_lowered;
	[smem:$0x3FD2] =	sst s25  }
0xa6: {  	s4 =	sshll.u32 s26, $0x1;
	_ =	strace $0x80000046;
	[dreg:$0x1] =	wrdreg $0xFFFFFFFF  }
0xa7: {  	s28 =	simm.s32 $_size_execute0_lowered;
	s2 =	sadd.s32 s2, s4;
	[dreg:$0x0] =	wrdreg $0x0  }
0xa8: {  	s4 =	sshll.u32 s28, $0x1;
	[dreg:$0x2] =	wrdreg s2  }
0xa9: {  	[dreg:$0x3] =	wrdreg s4  }
0xaa: {  	[dreg:$0x4] =	wrdreg $0xC0  }
0xab: {  	_ =	task [dreg:s6], $0x5FFFF  }
0xac: {  	[dreg:$0x1] =	wrdreg $0xFFFFFFFF  }
0xad: {  	[dreg:$0x0] =	wrdreg $0x60  }
0xae: {  	[dreg:$0x2] =	wrdreg s24  }
0xaf: {  	[dreg:$0x3] =	wrdreg $0x9  }
0xb0: {  	_ =	task.clear_ibuf [dreg:s6], $0x4FFFF;
	_ =	strace $0x90000046  }
0xb1: {  	s29 =	simm.s32 $0x9;
	_ =	strace $0x80000048  }
0xb2: {  	_ =	swait.ge [sflag:s29], $0x1  }
0xb3: {  	[sflag:s29] =	ssyncadd.s32 $0xFFFFFFFF  }
0xb4: {  	_ =	strace $0x90000048  }
0xb5: {  	_ =	sfence  }
0xb6: {  	s30 =	sld [smem:$0x0];
	_ =	sdelay $0x2  }
0xb7: {  	s31 =	sshll.u32 s1, $0xD;
	s1 =	sshrl.u32 s1, $0x2  }
0xb8: {  	s3 =	sand.u32 $0x4000, s31;
	s1 =	sadd.s32 s1, s30  }
0xb9: {  	s0 =	sor.u32 s3, s0;
	s1 =	sshll.u32 s1, $0x11  }
0xba: {  	s0 =	sor.u32 s1, s0  }
0xbb: {  	s0 =	sadd.s32 $0x8F2B, s0  }
0xbc: {  	[sflag:s0] =	ssyncadd.remote.s32 $0x1  }
0xbd: {  	_ =	sfence.sel $0xFFFF  }
0xbe: {  	[dreg:$0x0] =	wrdreg $0xFFFFFFFF;
	(pc) =	sbr.abs _section_cstart, $3  }
0xbf: {  	[dreg:$0x1] =	wrdreg $0xFFFFFFFF  }
0xc0: {  	_ =	task.clear_ibuf [dreg:s6], $0x2FFFF;
	_ =	strace $0x9FFFFFFF  }
0xc1: {  	(tm) =	ssettm $0x7FFFFFFF  }
tec
execute0_lowered:
.L_overlay_start_1:
0x0: {  	(tag) =	ssettag $0x1  }
0x1: {  	s1 =	srdreg.scid;
	s0 =	stileid.u32  }
0x2: {  	s8 =	rddreg [dreg:$0x0];
	s2 =	simm.s32 $0x0;
	s6 =	sand.u32 $0x1, s1  }
0x3: {  	s3 =	sshll.u32 s0, $0x8;
	s1 =	rddreg [dreg:$0x1];
	s4 =	sshll.u32 s6, $0x7  }
0x4: {  	s7 =	simm.s32 $0x1;
	[smem:$0x7FF] =	sst s2;
	s9 =	sor.u32 s4, s3  }
0x5: {  	s5 =	sadd.s32 $0x100000, s8;
	_ =	strace $0x80000047;
	s3 =	sshrl.u32 s9, $0x3  }
0x6: {  	s10 =	ssub.s32 $0x2, s6;
	s4 =	sadd.s32 s8, s3;
	s3 =	simm.s32 $0x2  }
0x7: {  	[tilespmem:s2], [sflag:$0x2] =	stream.linear.gather [hbm4b:s4+s2], $0x80, $0x38;
	[tilespmem:$0x4080] =	vst v63  }
0x8: {  	s6 =	simm.s32 $0x80;
	s11 =	sshrl.u32 s10, $0x1;
	_ =	swait.ge [sflag:s3], $0x80  }
0x9: {  	s9 =	sshll.u32 s9, $0x4;
	s31 =	ssub.s32 s10, s11;
	[sflag:s3] =	ssyncset.done $0x0  }
0xa: {  	s8 =	sadd.s32 s9, s8;
	s9 =	smax.u32 s31, $0x1;
	[sflag:s3] =	ssyncadd.s32 $0xFFFFFF80  }
0xb: {  	[tilespmem:s6], [sflag:$0x1] =	stream.indirect.gather [hbm4b:s5+s6], $0x80, s2, s6, $0xb8;
	[tilespmem:$0x4080] =	vst v63  }
0xc: {  	p0 =	sne.s32 s9, $0x1;
	_ =	swait.ge [sflag:s7], $0x4000  }
.Ltmp0:
0xd: {  	[sflag:s7] =	ssyncset.done $0x0;
	(pc) =	sbr.rel @!p0 .LBB2_2-.Ltmp0, $4  }
0xe: {  	s8 =	sadd.s32 $0x200, s8;
	[sflag:s7] =	ssyncadd.s32 $0xFFFFC000  }
0xf: {  	[hbm4b:s8+s2] =	stream.linear.scatter [tilespmem:s6], [sflag:$0x2], $0x4000, $0x38;
	[tilespmem:$0x4080] =	vst v63  }
0x10: {  	_ =	swait.ge [sflag:s3], $0x4000  }
0x11: {  	s9 =	sadd.s32 $0xFFFFFFFF, s9;
	[sflag:s3] =	ssyncset.done $0x0  }
.LBB2_1:
0x12: {  	p0 =	sne.s32 s9, $0x1;
	s9 =	sadd.s32 $0xFFFFFFFF, s9;
	[sflag:s3] =	ssyncadd.s32 $0xFFFFC000  }
0x13: {  	[tilespmem:s2], [sflag:$0x2] =	stream.linear.gather [hbm4b:s4+s2], $0x80, $0x38;
	[tilespmem:$0x4080] =	vst v63  }
0x14: {  	_ =	swait.ge [sflag:s3], $0x80  }
0x15: {  	[sflag:s3] =	ssyncset.done $0x0  }
0x16: {  	[sflag:s3] =	ssyncadd.s32 $0xFFFFFF80  }
0x17: {  	[tilespmem:s6], [sflag:$0x1] =	stream.indirect.gather [hbm4b:s5+s6], $0x80, s2, s6, $0xb8;
	[tilespmem:$0x4080] =	vst v63  }
0x18: {  	_ =	swait.ge [sflag:s7], $0x4000  }
.Ltmp1:
0x19: {  	[sflag:s7] =	ssyncset.done $0x0;
	(pc) =	sbr.rel @p0 .LBB2_1-.Ltmp1, $4  }
0x1a: {  	[sflag:s7] =	ssyncadd.s32 $0xFFFFC000  }
0x1b: {  	[hbm4b:s8+s2] =	stream.linear.scatter [tilespmem:s6], [sflag:$0x2], $0x4000, $0x38;
	[tilespmem:$0x4080] =	vst v63  }
0x1c: {  	_ =	swait.ge [sflag:s3], $0x4000  }
0x1d: {  	[sflag:s3] =	ssyncset.done $0x0  }
.LBB2_2:
0x1e: {  	[sflag:s3] =	ssyncadd.s32 $0xFFFFC000  }
0x1f: {  	_ =	sfence.sel $0x180000  }
0x20: {  	[bflag:$0x0] =	sbarrier.arrive $0xFFFF  }
0x21: {  	p0 =	sne.s32 s0, $0x0;
	_ =	strace $0x90000047  }
0x22: {  	s0 =	sadd.s32 @!p0 $0x100000, s1;
	[bflag:$0x2] =	sbarrier.arrive $0xFFFF  }
0x23: {  	[sflag:s0] =	ssyncadd.tile.s32 @!p0 $0x1;
	_ =	shalt  }
.Lfunc_end2:
_tile_overlayer_lowered:
.L_overlay_start_2:
0x24: {  	(tag) =	ssettag $0x2  }
0x25: {  	s0 =	rddreg [dreg:$0x0];
	s2 =	stileid.u32  }
0x26: {  	s1 =	rddreg [dreg:$0x1];
	p0 =	sne.s32 s2, $0x0  }
0x27: {  	s3 =	rddreg [dreg:$0x2];
	[bflag:$0x3] =	sbarrier.arrive $0xFFFF;
	s2 =	simm.s32 @!p0 $0x1C02  }
0x28: {  	[timem:s3], [sflag:s2] =	dma.local @!p0 [hbm:s0], s1  }
0x29: {  	s0 =	simm.s32 @!p0 $0x2  }
0x2a: {  	_ =	swait.ge @!p0 [sflag:s0], s1  }
0x2b: {  	s1 =	ssub.s32 @!p0 $0x0, s1;
	[sflag:s0] =	ssyncset.done @!p0 $0x0  }
0x2c: {  	[sflag:s0] =	ssyncadd.s32 @!p0 s1  }
0x2d: {  	[bflag:$0x3] =	sbarrier.arrive $0xFFFF  }
0x2e: {  	_ =	shalt  }

</sc_bundles>
